<compile_context>
chip_gen: v7x
topology: tpu7x:2x2x1
jax: 0.10.2.dev20260603
libtpu: 0.0.44.dev20260713+nightly
codegen_flags: <defaults>
</compile_context>

<pallas_src>
import dataclasses
import functools

import jax
import jax.numpy as jnp
from jax import lax
from jax.experimental import pallas as pl
from jax.experimental.pallas import tpu as pltpu
from jax.experimental.pallas import tpu_sc as plsc

N, E, D, H, C = 10000, 320000, 128, 128, 64

NC, NS = 2, 16
NW = NC * NS
E_PER_TILE = E // NW
CHUNK = 80
N_CHUNKS = E_PER_TILE // CHUNK
N_ACC = 10240
ROWS_PER_SUB = N_ACC // NS

_sc_mesh = plsc.VectorSubcoreMesh(
    core_axis_name="c", subcore_axis_name="s", num_cores=NC, num_subcores=NS
)

_sc_params = pltpu.CompilerParams()
if "needs_layout_passes" in pltpu.CompilerParams.__dataclass_fields__:
    _sc_params = dataclasses.replace(_sc_params, needs_layout_passes=False)


@functools.partial(
    pl.kernel,
    out_type=[
        jax.ShapeDtypeStruct((NC, N_ACC, D), jnp.float32),
        jax.ShapeDtypeStruct((NW * N,), jnp.float32),
    ],
    mesh=_sc_mesh,
    scratch_types=[
        pltpu.VMEM((E_PER_TILE,), jnp.int32),
        pltpu.VMEM((CHUNK,), jnp.int32),
        pltpu.VMEM((CHUNK,), jnp.int32),
        pltpu.VMEM((CHUNK, D), jnp.float32),
        pltpu.VMEM((CHUNK, D), jnp.float32),
        pltpu.VMEM((N,), jnp.float32),
        pltpu.VMEM_SHARED((N_ACC, D), jnp.float32),
        pltpu.SemaphoreType.DMA,
        pltpu.SemaphoreType.DMA,
        pltpu.SemaphoreType.DMA,
        pltpu.SemaphoreType.DMA,
    ],
    compiler_params=_sc_params,
)
def _sc_aggregate(
    x_hbm, src_hbm, dst_hbm, zeros_d_hbm,
    agg_out, deg_out,
    src_v, dstb0, dstb1, rows0_v, rows1_v, deg_v, agg_sh,
    semr0, semr1, semi0, semi1,
):
    cid = lax.axis_index("c")
    sid = lax.axis_index("s")
    r0 = sid * ROWS_PER_SUB
    wid = cid * NS + sid
    ebase = wid * E_PER_TILE

    pltpu.sync_copy(src_hbm.at[pl.ds(ebase, E_PER_TILE)], src_v)

    pltpu.sync_copy(
        zeros_d_hbm.at[pl.ds(r0, ROWS_PER_SUB)],
        agg_sh.at[pl.ds(r0, ROWS_PER_SUB)],
    )

    @pl.loop(0, N // 16)
    def _(i):
        deg_v[pl.ds(i * 16, 16)] = jnp.zeros((16,), jnp.float32)

    plsc.subcore_barrier()

    one16 = jnp.ones((16,), jnp.float32)

    def start_chunk(g, rows_v, dstb, semr, semi):
        idx = src_v.at[pl.ds(g * CHUNK, CHUNK)]
        pltpu.async_copy(x_hbm.at[idx], rows_v, semr)
        pltpu.async_copy(dst_hbm.at[pl.ds(ebase + g * CHUNK, CHUNK)], dstb, semi)

    def wait_chunk(g, rows_v, dstb, semr, semi):
        idx = src_v.at[pl.ds(g * CHUNK, CHUNK)]
        pltpu.make_async_copy(x_hbm.at[idx], rows_v, semr).wait()
        pltpu.make_async_copy(
            dst_hbm.at[pl.ds(ebase + g * CHUNK, CHUNK)], dstb, semi
        ).wait()

    def scatter(rows_v, dstb):
        pltpu.sync_copy(rows_v, agg_sh.at[dstb], add=True)
        for k in range(CHUNK // 16):
            idx16 = dstb[pl.ds(k * 16, 16)]
            plsc.addupdate_scatter(deg_v, [idx16], one16)

    start_chunk(0, rows0_v, dstb0, semr0, semi0)

    @pl.loop(0, (N_CHUNKS - 1) // 2)
    def _(p):
        i0 = 2 * p
        wait_chunk(i0, rows0_v, dstb0, semr0, semi0)
        start_chunk(i0 + 1, rows1_v, dstb1, semr1, semi1)
        scatter(rows0_v, dstb0)
        wait_chunk(i0 + 1, rows1_v, dstb1, semr1, semi1)
        start_chunk(i0 + 2, rows0_v, dstb0, semr0, semi0)
        scatter(rows1_v, dstb1)

    wait_chunk(N_CHUNKS - 1, rows0_v, dstb0, semr0, semi0)
    scatter(rows0_v, dstb0)

    plsc.subcore_barrier()

    pltpu.sync_copy(
        agg_sh.at[pl.ds(r0, ROWS_PER_SUB)],
        agg_out.at[cid, pl.ds(r0, ROWS_PER_SUB)],
    )
    pltpu.sync_copy(deg_v, deg_out.at[pl.ds(wid * N, N)])


def _tc_body(
    agg_ref, deg_ref, x_ref, wl_ref, bl_ref, wr_ref, wlin_ref, blin_ref,
    out_ref, lab_ref,
):
    agg = agg_ref[0] + agg_ref[1]
    deg = jnp.sum(deg_ref[...], axis=1)
    agg = agg / jnp.maximum(deg, 1.0)[:, None]
    h = (
        jnp.dot(agg, wl_ref[...], preferred_element_type=jnp.float32)
        + bl_ref[...]
        + jnp.dot(x_ref[...], wr_ref[...], preferred_element_type=jnp.float32)
    )
    h = jnp.maximum(h, 0.0)
    logits = (
        jnp.dot(h, wlin_ref[...], preferred_element_type=jnp.float32)
        + blin_ref[...]
    )
    m = jnp.max(logits, axis=1, keepdims=True)
    lse = jnp.log(jnp.sum(jnp.exp(logits - m), axis=1, keepdims=True)) + m
    o = logits - lse
    out_ref[...] = o
    lab_ref[...] = jnp.argmax(o, axis=1).astype(jnp.int32)[:, None]


_TC_R = 1000


def _tc_head(agg_parts, deg_t, x, W_l, b_l2, W_r, W_lin, b_lin2):
    grid = (N // _TC_R,)
    return pl.pallas_call(
        _tc_body,
        grid=grid,
        in_specs=[
            pl.BlockSpec((NC, _TC_R, D), lambda i: (0, i, 0)),
            pl.BlockSpec((_TC_R, NW), lambda i: (i, 0)),
            pl.BlockSpec((_TC_R, D), lambda i: (i, 0)),
            pl.BlockSpec((D, H), lambda i: (0, 0)),
            pl.BlockSpec((1, H), lambda i: (0, 0)),
            pl.BlockSpec((D, H), lambda i: (0, 0)),
            pl.BlockSpec((H, C), lambda i: (0, 0)),
            pl.BlockSpec((1, C), lambda i: (0, 0)),
        ],
        out_specs=[
            pl.BlockSpec((_TC_R, C), lambda i: (i, 0)),
            pl.BlockSpec((_TC_R, 1), lambda i: (i, 0)),
        ],
        out_shape=[
            jax.ShapeDtypeStruct((N, C), jnp.float32),
            jax.ShapeDtypeStruct((N, 1), jnp.int32),
        ],
    )(agg_parts, deg_t, x, W_l, b_l2, W_r, W_lin, b_lin2)


def kernel(x, edge_index, W_l, b_l, W_r, W_lin, b_lin):
    src = edge_index[0]
    dst = edge_index[1]
    zeros_d = jnp.zeros((N_ACC, D), jnp.float32)
    agg_parts, deg_flat = _sc_aggregate(x, src, dst, zeros_d)
    deg_t = deg_flat.reshape(NW, N).T
    out, lab2 = _tc_head(
        agg_parts, deg_t, x,
        W_l, b_l.reshape(1, H), W_r, W_lin, b_lin.reshape(1, C),
    )
    return lab2.reshape(N), out

# --- scband reference (transcript-rebuilt; emitter-appended) ---
"""Pipeline reference for scband-graph-sage-46901042872380 (READ-ONLY COPY).

The authoritative reference and input builder live on the scoring server;
editing this copy changes nothing except your own understanding.
"""

import jax, jax.numpy as jnp
import numpy as np

N, E, D, H, C = 10000, 320000, 128, 128, 64

def setup_inputs(seed: int = 0) -> dict:
    key = jax.random.key(seed)
    ks = jax.random.split(key, 8)
    x = jax.random.normal(ks[0], (N, D), dtype=jnp.float32)
    edge_index = jax.random.randint(ks[1], (2, E), 0, N, dtype=jnp.int32)
    s = 1.0 / np.sqrt(D)
    W_l = jax.random.uniform(ks[2], (D, H), minval=-s, maxval=s, dtype=jnp.float32)
    b_l = jax.random.uniform(ks[3], (H,), minval=-s, maxval=s, dtype=jnp.float32)
    W_r = jax.random.uniform(ks[4], (D, H), minval=-s, maxval=s, dtype=jnp.float32)
    s2 = 1.0 / np.sqrt(H)
    W_lin = jax.random.uniform(ks[5], (H, C), minval=-s2, maxval=s2, dtype=jnp.float32)
    b_lin = jax.random.uniform(ks[6], (C,), minval=-s2, maxval=s2, dtype=jnp.float32)
    return {"x": x, "edge_index": edge_index, "W_l": W_l, "b_l": b_l, "W_r": W_r, "W_lin": W_lin, "b_lin": b_lin}

def reference(x, edge_index, W_l, b_l, W_r, W_lin, b_lin):
    src = edge_index[0]
    dst = edge_index[1]
    n = x.shape[0]
    # SAGEConv with mean aggregation: gather messages from src, scatter-mean to dst
    msgs = jnp.take(x, src, axis=0)
    agg = jax.ops.segment_sum(msgs, dst, num_segments=n)
    deg = jax.ops.segment_sum(jnp.ones((dst.shape[0],), dtype=x.dtype), dst, num_segments=n)
    agg = agg / jnp.maximum(deg, 1.0)[:, None]
    h = agg @ W_l + b_l + x @ W_r
    h = jax.nn.relu(h)
    # dropout is identity in eval mode
    logits = h @ W_lin + b_lin
    out = jax.nn.log_softmax(logits, axis=1)
    label = jnp.argmax(out, axis=-1)
    return (label, out)

if __name__ == "__main__":
    import jax
    _d = setup_inputs()
    print(jax.jit(kernel)(*tuple(_d.values())))

</pallas_src>

<mosaic_0001>
#map = affine_map<(d0, d1) -> (0, 0)>
#map1 = affine_map<(d0, d1) -> (0)>
#map2 = affine_map<(d0, d1) -> (0, 0, 0)>
module attributes {stable_mosaic.version = 14 : i64} {
  func.func @_sc_aggregate(%arg0: i32, %arg1: i32, %arg2: memref<10000x128xf32, #tpu.memory_space<hbm>>, %arg3: memref<320000xi32, #tpu.memory_space<hbm>>, %arg4: memref<320000xi32, #tpu.memory_space<hbm>>, %arg5: memref<10240x128xf32, #tpu.memory_space<hbm>>, %arg6: memref<2x10240x128xf32, #tpu.memory_space<hbm>>, %arg7: memref<320000xf32, #tpu.memory_space<hbm>>, %arg8: memref<10000xi32, #tpu.memory_space<vmem>>, %arg9: memref<80xi32, #tpu.memory_space<vmem>>, %arg10: memref<80xi32, #tpu.memory_space<vmem>>, %arg11: memref<80x128xf32, #tpu.memory_space<vmem>>, %arg12: memref<80x128xf32, #tpu.memory_space<vmem>>, %arg13: memref<10000xf32, #tpu.memory_space<vmem>>, %arg14: memref<10240x128xf32, #tpu.memory_space<vmem_shared>>, %arg15: memref<!tpu.dma_semaphore, #tpu.memory_space<semaphore_mem>>, %arg16: memref<!tpu.dma_semaphore, #tpu.memory_space<semaphore_mem>>, %arg17: memref<!tpu.dma_semaphore, #tpu.memory_space<semaphore_mem>>, %arg18: memref<!tpu.dma_semaphore, #tpu.memory_space<semaphore_mem>>) attributes {dimension_semantics = [#tpu.dimension_semantics<core_parallel>, #tpu.dimension_semantics<subcore_parallel>], iteration_bounds = array<i64: 2, 16>, scalar_prefetch = 0 : i64, scratch_operands = 11 : i64, tpu.core_type = #tpu.core_type<sc_vector_subcore>, window_params = [{transform_indices = #map}, {transform_indices = #map1}, {transform_indices = #map1}, {transform_indices = #map}, {transform_indices = #map2}, {transform_indices = #map1}]} {
    %mul3A = arith.constant 640 : i32
    %mul3A_0 = arith.muli %arg1, %mul3A : i32
    %mul3A_1 = arith.constant 16 : i32
    %mul3A_2 = arith.muli %arg0, %mul3A_1 : i32
    %add3A = arith.addi %mul3A_2, %arg1 : i32
    %mul3A_3 = arith.constant 10000 : i32
    %mul3A_4 = arith.muli %add3A, %mul3A_3 : i32
    "tpu.region"() ({
      %run_scoped3A = tpu.sem_alloc : memref<!tpu.dma_semaphore, #tpu.memory_space<semaphore_mem>>
      %dma_start3A_43 = tpu.memref_slice %arg3[%mul3A_4] : memref<320000xi32, #tpu.memory_space<hbm>> -> memref<10000xi32, #tpu.memory_space<hbm>>
      %dma_start3A_44 = tpu.memref_slice %arg3[%mul3A_4] : memref<320000xi32, #tpu.memory_space<hbm>> -> memref<10000xi32, #tpu.memory_space<hbm>>
      tpu.enqueue_dma source(%dma_start3A_44 : memref<10000xi32, #tpu.memory_space<hbm>>) target(%arg8 : memref<10000xi32, #tpu.memory_space<vmem>>) target_semaphore(%run_scoped3A : memref<!tpu.dma_semaphore, #tpu.memory_space<semaphore_mem>>)
      %dma_wait3A_45 = tpu.memref_slice %arg3[%mul3A_4] : memref<320000xi32, #tpu.memory_space<hbm>> -> memref<10000xi32, #tpu.memory_space<hbm>>
      %dma_wait3A_46 = tpu.memref_slice %arg3[%mul3A_4] : memref<320000xi32, #tpu.memory_space<hbm>> -> memref<10000xi32, #tpu.memory_space<hbm>>
      tpu.wait_dma2 semaphore(%run_scoped3A : memref<!tpu.dma_semaphore, #tpu.memory_space<semaphore_mem>>) src(%dma_wait3A_46 : memref<10000xi32, #tpu.memory_space<hbm>>) dst(%arg8 : memref<10000xi32, #tpu.memory_space<vmem>>)
      tpu.yield
    }) : () -> ()
    "tpu.region"() ({
      %run_scoped3A = tpu.sem_alloc : memref<!tpu.dma_semaphore, #tpu.memory_space<semaphore_mem>>
      %dma_start3A_43 = arith.constant 0 : i32
      %dma_start3A_44 = tpu.memref_slice %arg14[%mul3A_0, %dma_start3A_43] : memref<10240x128xf32, #tpu.memory_space<vmem_shared>> -> memref<640x128xf32, #tpu.memory_space<vmem_shared>>
      %dma_start3A_45 = arith.constant 0 : i32
      %dma_start3A_46 = tpu.memref_slice %arg5[%mul3A_0, %dma_start3A_45] : memref<10240x128xf32, #tpu.memory_space<hbm>> -> memref<640x128xf32, #tpu.memory_space<hbm>>
      tpu.enqueue_dma source(%dma_start3A_46 : memref<640x128xf32, #tpu.memory_space<hbm>>) target(%dma_start3A_44 : memref<640x128xf32, #tpu.memory_space<vmem_shared>>) target_semaphore(%run_scoped3A : memref<!tpu.dma_semaphore, #tpu.memory_space<semaphore_mem>>)
      %dma_wait3A_47 = arith.constant 0 : i32
      %dma_wait3A_48 = tpu.memref_slice %arg14[%mul3A_0, %dma_wait3A_47] : memref<10240x128xf32, #tpu.memory_space<vmem_shared>> -> memref<640x128xf32, #tpu.memory_space<vmem_shared>>
      %dma_wait3A_49 = arith.constant 0 : i32
      %dma_wait3A_50 = tpu.memref_slice %arg5[%mul3A_0, %dma_wait3A_49] : memref<10240x128xf32, #tpu.memory_space<hbm>> -> memref<640x128xf32, #tpu.memory_space<hbm>>
      tpu.wait_dma2 semaphore(%run_scoped3A : memref<!tpu.dma_semaphore, #tpu.memory_space<semaphore_mem>>) src(%dma_wait3A_50 : memref<640x128xf32, #tpu.memory_space<hbm>>) dst(%dma_wait3A_48 : memref<640x128xf32, #tpu.memory_space<vmem_shared>>)
      tpu.yield
    }) : () -> ()
    %scan3A = arith.constant 0 : i32
    %scan3A_5 = arith.constant 625 : i32
    %scan3A_6 = arith.addi %scan3A, %scan3A_5 : i32
    %scan3A_7 = arith.constant 1 : i32
    scf.for %scan3A_43 = %scan3A to %scan3A_6 step %scan3A_7  : i32 {
      %mul3A_44 = arith.constant 1 : i32
      %mul3A_45 = arith.muli %scan3A_43, %mul3A_44 : i32
      %add3A_46 = arith.constant 0 : i32
      %add3A_47 = arith.addi %add3A_46, %mul3A_45 : i32
      %broadcast_in_dim3A_48 = arith.constant 0.000000e+00 : f32
      %broadcast_in_dim3A_49 = vector.broadcast %broadcast_in_dim3A_48 : f32 to vector<16xf32>
      %mul3A_50 = arith.constant 16 : i32
      %mul3A_51 = arith.muli %add3A_47, %mul3A_50 : i32
      %swap3A = arith.index_cast %mul3A_51 : i32 to index
      %swap3A_52 = tpu.vector_load %arg13[%swap3A] {strides = array<i32>} : memref<10000xf32, #tpu.memory_space<vmem>>, vector<16xf32>,
      tpu.vector_store %arg13[%swap3A], %broadcast_in_dim3A_49 {strides = array<i32>} : memref<10000xf32, #tpu.memory_space<vmem>>, vector<16xf32>,
    }
    %scan3A_8 = arith.constant 625 : i32
    %barrier3A = arith.constant 0 : index
    tpu.barrier barrier_id(%barrier3A)
    %broadcast_in_dim3A = arith.constant 1.000000e+00 : f32
    %broadcast_in_dim3A_9 = vector.broadcast %broadcast_in_dim3A : f32 to vector<16xf32>
    %dma_start3A = arith.constant 0 : i32
    %dma_start3A_10 = tpu.memref_slice %arg8[%dma_start3A] : memref<10000xi32, #tpu.memory_space<vmem>> -> memref<80xi32, #tpu.memory_space<vmem>>
    %dma_start3A_11 = arith.constant 0 : i32
    %dma_start3A_12 = arith.constant 0 : i32
    %dma_start3A_13 = tpu.memref_slice %arg2[%dma_start3A_11, %dma_start3A_12] : memref<10000x128xf32, #tpu.memory_space<hbm>> -> memref<10000x128xf32, #tpu.memory_space<hbm>>
    tpu.enqueue_indirect_dma source(%dma_start3A_13 : memref<10000x128xf32, #tpu.memory_space<hbm>>) target(%arg11 : memref<80x128xf32, #tpu.memory_space<vmem>>) offsets(%dma_start3A_10 : memref<80xi32, #tpu.memory_space<vmem>>) semaphore(%arg15 : memref<!tpu.dma_semaphore, #tpu.memory_space<semaphore_mem>>)
    %add3A_14 = arith.constant 0 : i32
    %add3A_15 = arith.addi %mul3A_4, %add3A_14 : i32
    %dma_start3A_16 = tpu.memref_slice %arg4[%add3A_15] : memref<320000xi32, #tpu.memory_space<hbm>> -> memref<80xi32, #tpu.memory_space<hbm>>
    %dma_start3A_17 = tpu.memref_slice %arg4[%add3A_15] : memref<320000xi32, #tpu.memory_space<hbm>> -> memref<80xi32, #tpu.memory_space<hbm>>
    tpu.enqueue_dma source(%dma_start3A_17 : memref<80xi32, #tpu.memory_space<hbm>>) target(%arg9 : memref<80xi32, #tpu.memory_space<vmem>>) target_semaphore(%arg17 : memref<!tpu.dma_semaphore, #tpu.memory_space<semaphore_mem>>)
    %scan3A_18 = arith.constant 0 : i32
    %scan3A_19 = arith.constant 62 : i32
    %scan3A_20 = arith.addi %scan3A_18, %scan3A_19 : i32
    %scan3A_21 = arith.constant 1 : i32
    scf.for %scan3A_43 = %scan3A_18 to %scan3A_20 step %scan3A_21  : i32 {
      %mul3A_44 = arith.constant 1 : i32
      %mul3A_45 = arith.muli %scan3A_43, %mul3A_44 : i32
      %add3A_46 = arith.constant 0 : i32
      %add3A_47 = arith.addi %add3A_46, %mul3A_45 : i32
      %mul3A_48 = arith.constant 2 : i32
      %mul3A_49 = arith.muli %mul3A_48, %add3A_47 : i32
      %mul3A_50 = arith.constant 80 : i32
      %mul3A_51 = arith.muli %mul3A_49, %mul3A_50 : i32
      %dma_wait3A_52 = tpu.memref_slice %arg8[%mul3A_51] : memref<10000xi32, #tpu.memory_space<vmem>> -> memref<80xi32, #tpu.memory_space<vmem>>
      %dma_wait3A_53 = arith.constant 0 : i32
      %dma_wait3A_54 = arith.constant 0 : i32
      %dma_wait3A_55 = tpu.memref_slice %arg2[%dma_wait3A_53, %dma_wait3A_54] : memref<10000x128xf32, #tpu.memory_space<hbm>> -> memref<10000x128xf32, #tpu.memory_space<hbm>>
      tpu.wait_indirect_dma semaphore(%arg15 : memref<!tpu.dma_semaphore, #tpu.memory_space<semaphore_mem>>) src(%dma_wait3A_55 : memref<10000x128xf32, #tpu.memory_space<hbm>>) dst(%arg11 : memref<80x128xf32, #tpu.memory_space<vmem>>)
      %mul3A_56 = arith.constant 80 : i32
      %mul3A_57 = arith.muli %mul3A_49, %mul3A_56 : i32
      %add3A_58 = arith.addi %mul3A_4, %mul3A_57 : i32
      %dma_wait3A_59 = tpu.memref_slice %arg4[%add3A_58] : memref<320000xi32, #tpu.memory_space<hbm>> -> memref<80xi32, #tpu.memory_space<hbm>>
      %dma_wait3A_60 = tpu.memref_slice %arg4[%add3A_58] : memref<320000xi32, #tpu.memory_space<hbm>> -> memref<80xi32, #tpu.memory_space<hbm>>
      tpu.wait_dma2 semaphore(%arg17 : memref<!tpu.dma_semaphore, #tpu.memory_space<semaphore_mem>>) src(%dma_wait3A_60 : memref<80xi32, #tpu.memory_space<hbm>>) dst(%arg9 : memref<80xi32, #tpu.memory_space<vmem>>)
      %add3A_61 = arith.constant 1 : i32
      %add3A_62 = arith.addi %mul3A_49, %add3A_61 : i32
      %mul3A_63 = arith.constant 80 : i32
      %mul3A_64 = arith.muli %add3A_62, %mul3A_63 : i32
      %dma_start3A_65 = tpu.memref_slice %arg8[%mul3A_64] : memref<10000xi32, #tpu.memory_space<vmem>> -> memref<80xi32, #tpu.memory_space<vmem>>
      %dma_start3A_66 = arith.constant 0 : i32
      %dma_start3A_67 = arith.constant 0 : i32
      %dma_start3A_68 = tpu.memref_slice %arg2[%dma_start3A_66, %dma_start3A_67] : memref<10000x128xf32, #tpu.memory_space<hbm>> -> memref<10000x128xf32, #tpu.memory_space<hbm>>
      tpu.enqueue_indirect_dma source(%dma_start3A_68 : memref<10000x128xf32, #tpu.memory_space<hbm>>) target(%arg12 : memref<80x128xf32, #tpu.memory_space<vmem>>) offsets(%dma_start3A_65 : memref<80xi32, #tpu.memory_space<vmem>>) semaphore(%arg16 : memref<!tpu.dma_semaphore, #tpu.memory_space<semaphore_mem>>)
      %mul3A_69 = arith.constant 80 : i32
      %mul3A_70 = arith.muli %add3A_62, %mul3A_69 : i32
      %add3A_71 = arith.addi %mul3A_4, %mul3A_70 : i32
      %dma_start3A_72 = tpu.memref_slice %arg4[%add3A_71] : memref<320000xi32, #tpu.memory_space<hbm>> -> memref<80xi32, #tpu.memory_space<hbm>>
      %dma_start3A_73 = tpu.memref_slice %arg4[%add3A_71] : memref<320000xi32, #tpu.memory_space<hbm>> -> memref<80xi32, #tpu.memory_space<hbm>>
      tpu.enqueue_dma source(%dma_start3A_73 : memref<80xi32, #tpu.memory_space<hbm>>) target(%arg10 : memref<80xi32, #tpu.memory_space<vmem>>) target_semaphore(%arg18 : memref<!tpu.dma_semaphore, #tpu.memory_space<semaphore_mem>>)
      "tpu.region"() ({
        %run_scoped3A = tpu.sem_alloc : memref<!tpu.dma_semaphore, #tpu.memory_space<semaphore_mem>>
        %dma_start3A_120 = arith.constant 0 : i32
        %dma_start3A_121 = arith.constant 0 : i32
        %dma_start3A_122 = tpu.memref_slice %arg14[%dma_start3A_120, %dma_start3A_121] : memref<10240x128xf32, #tpu.memory_space<vmem_shared>> -> memref<10240x128xf32, #tpu.memory_space<vmem_shared>>
        tpu.enqueue_indirect_dma source(%arg11 : memref<80x128xf32, #tpu.memory_space<vmem>>) target(%dma_start3A_122 : memref<10240x128xf32, #tpu.memory_space<vmem_shared>>) offsets(%arg9 : memref<80xi32, #tpu.memory_space<vmem>>) semaphore(%run_scoped3A : memref<!tpu.dma_semaphore, #tpu.memory_space<semaphore_mem>>) {add = true}
        %dma_wait3A_123 = arith.constant 0 : i32
        %dma_wait3A_124 = arith.constant 0 : i32
        %dma_wait3A_125 = tpu.memref_slice %arg14[%dma_wait3A_123, %dma_wait3A_124] : memref<10240x128xf32, #tpu.memory_space<vmem_shared>> -> memref<10240x128xf32, #tpu.memory_space<vmem_shared>>
        tpu.wait_indirect_dma semaphore(%run_scoped3A : memref<!tpu.dma_semaphore, #tpu.memory_space<semaphore_mem>>) src(%arg11 : memref<80x128xf32, #tpu.memory_space<vmem>>) dst(%dma_wait3A_125 : memref<10240x128xf32, #tpu.memory_space<vmem_shared>>)
        tpu.yield
      }) : () -> ()
      %get3A_74 = arith.constant 0 : index
      %get3A_75 = tpu.vector_load %arg9[%get3A_74] {strides = array<i32>} : memref<80xi32, #tpu.memory_space<vmem>>, vector<16xi32>,
      tpu.vector_store_idx %arg13[%get3A_75], %broadcast_in_dim3A_9 {add = true} : memref<10000xf32, #tpu.memory_space<vmem>>[vector<16xi32>], vector<16xf32>,
      %get3A_76 = arith.constant 16 : index
      %get3A_77 = tpu.vector_load %arg9[%get3A_76] {strides = array<i32>} : memref<80xi32, #tpu.memory_space<vmem>>, vector<16xi32>,
      tpu.vector_store_idx %arg13[%get3A_77], %broadcast_in_dim3A_9 {add = true} : memref<10000xf32, #tpu.memory_space<vmem>>[vector<16xi32>], vector<16xf32>,
      %get3A_78 = arith.constant 32 : index
      %get3A_79 = tpu.vector_load %arg9[%get3A_78] {strides = array<i32>} : memref<80xi32, #tpu.memory_space<vmem>>, vector<16xi32>,
      tpu.vector_store_idx %arg13[%get3A_79], %broadcast_in_dim3A_9 {add = true} : memref<10000xf32, #tpu.memory_space<vmem>>[vector<16xi32>], vector<16xf32>,
      %get3A_80 = arith.constant 48 : index
      %get3A_81 = tpu.vector_load %arg9[%get3A_80] {strides = array<i32>} : memref<80xi32, #tpu.memory_space<vmem>>, vector<16xi32>,
      tpu.vector_store_idx %arg13[%get3A_81], %broadcast_in_dim3A_9 {add = true} : memref<10000xf32, #tpu.memory_space<vmem>>[vector<16xi32>], vector<16xf32>,
      %get3A_82 = arith.constant 64 : index
      %get3A_83 = tpu.vector_load %arg9[%get3A_82] {strides = array<i32>} : memref<80xi32, #tpu.memory_space<vmem>>, vector<16xi32>,
      tpu.vector_store_idx %arg13[%get3A_83], %broadcast_in_dim3A_9 {add = true} : memref<10000xf32, #tpu.memory_space<vmem>>[vector<16xi32>], vector<16xf32>,
      %add3A_84 = arith.constant 1 : i32
      %add3A_85 = arith.addi %mul3A_49, %add3A_84 : i32
      %mul3A_86 = arith.constant 80 : i32
      %mul3A_87 = arith.muli %add3A_85, %mul3A_86 : i32
      %dma_wait3A_88 = tpu.memref_slice %arg8[%mul3A_87] : memref<10000xi32, #tpu.memory_space<vmem>> -> memref<80xi32, #tpu.memory_space<vmem>>
      %dma_wait3A_89 = arith.constant 0 : i32
      %dma_wait3A_90 = arith.constant 0 : i32
      %dma_wait3A_91 = tpu.memref_slice %arg2[%dma_wait3A_89, %dma_wait3A_90] : memref<10000x128xf32, #tpu.memory_space<hbm>> -> memref<10000x128xf32, #tpu.memory_space<hbm>>
      tpu.wait_indirect_dma semaphore(%arg16 : memref<!tpu.dma_semaphore, #tpu.memory_space<semaphore_mem>>) src(%dma_wait3A_91 : memref<10000x128xf32, #tpu.memory_space<hbm>>) dst(%arg12 : memref<80x128xf32, #tpu.memory_space<vmem>>)
      %mul3A_92 = arith.constant 80 : i32
      %mul3A_93 = arith.muli %add3A_85, %mul3A_92 : i32
      %add3A_94 = arith.addi %mul3A_4, %mul3A_93 : i32
      %dma_wait3A_95 = tpu.memref_slice %arg4[%add3A_94] : memref<320000xi32, #tpu.memory_space<hbm>> -> memref<80xi32, #tpu.memory_space<hbm>>
      %dma_wait3A_96 = tpu.memref_slice %arg4[%add3A_94] : memref<320000xi32, #tpu.memory_space<hbm>> -> memref<80xi32, #tpu.memory_space<hbm>>
      tpu.wait_dma2 semaphore(%arg18 : memref<!tpu.dma_semaphore, #tpu.memory_space<semaphore_mem>>) src(%dma_wait3A_96 : memref<80xi32, #tpu.memory_space<hbm>>) dst(%arg10 : memref<80xi32, #tpu.memory_space<vmem>>)
      %add3A_97 = arith.constant 2 : i32
      %add3A_98 = arith.addi %mul3A_49, %add3A_97 : i32
      %mul3A_99 = arith.constant 80 : i32
      %mul3A_100 = arith.muli %add3A_98, %mul3A_99 : i32
      %dma_start3A_101 = tpu.memref_slice %arg8[%mul3A_100] : memref<10000xi32, #tpu.memory_space<vmem>> -> memref<80xi32, #tpu.memory_space<vmem>>
      %dma_start3A_102 = arith.constant 0 : i32
      %dma_start3A_103 = arith.constant 0 : i32
      %dma_start3A_104 = tpu.memref_slice %arg2[%dma_start3A_102, %dma_start3A_103] : memref<10000x128xf32, #tpu.memory_space<hbm>> -> memref<10000x128xf32, #tpu.memory_space<hbm>>
      tpu.enqueue_indirect_dma source(%dma_start3A_104 : memref<10000x128xf32, #tpu.memory_space<hbm>>) target(%arg11 : memref<80x128xf32, #tpu.memory_space<vmem>>) offsets(%dma_start3A_101 : memref<80xi32, #tpu.memory_space<vmem>>) semaphore(%arg15 : memref<!tpu.dma_semaphore, #tpu.memory_space<semaphore_mem>>)
      %mul3A_105 = arith.constant 80 : i32
      %mul3A_106 = arith.muli %add3A_98, %mul3A_105 : i32
      %add3A_107 = arith.addi %mul3A_4, %mul3A_106 : i32
      %dma_start3A_108 = tpu.memref_slice %arg4[%add3A_107] : memref<320000xi32, #tpu.memory_space<hbm>> -> memref<80xi32, #tpu.memory_space<hbm>>
      %dma_start3A_109 = tpu.memref_slice %arg4[%add3A_107] : memref<320000xi32, #tpu.memory_space<hbm>> -> memref<80xi32, #tpu.memory_space<hbm>>
      tpu.enqueue_dma source(%dma_start3A_109 : memref<80xi32, #tpu.memory_space<hbm>>) target(%arg9 : memref<80xi32, #tpu.memory_space<vmem>>) target_semaphore(%arg17 : memref<!tpu.dma_semaphore, #tpu.memory_space<semaphore_mem>>)
      "tpu.region"() ({
        %run_scoped3A = tpu.sem_alloc : memref<!tpu.dma_semaphore, #tpu.memory_space<semaphore_mem>>
        %dma_start3A_120 = arith.constant 0 : i32
        %dma_start3A_121 = arith.constant 0 : i32
        %dma_start3A_122 = tpu.memref_slice %arg14[%dma_start3A_120, %dma_start3A_121] : memref<10240x128xf32, #tpu.memory_space<vmem_shared>> -> memref<10240x128xf32, #tpu.memory_space<vmem_shared>>
        tpu.enqueue_indirect_dma source(%arg12 : memref<80x128xf32, #tpu.memory_space<vmem>>) target(%dma_start3A_122 : memref<10240x128xf32, #tpu.memory_space<vmem_shared>>) offsets(%arg10 : memref<80xi32, #tpu.memory_space<vmem>>) semaphore(%run_scoped3A : memref<!tpu.dma_semaphore, #tpu.memory_space<semaphore_mem>>) {add = true}
        %dma_wait3A_123 = arith.constant 0 : i32
        %dma_wait3A_124 = arith.constant 0 : i32
        %dma_wait3A_125 = tpu.memref_slice %arg14[%dma_wait3A_123, %dma_wait3A_124] : memref<10240x128xf32, #tpu.memory_space<vmem_shared>> -> memref<10240x128xf32, #tpu.memory_space<vmem_shared>>
        tpu.wait_indirect_dma semaphore(%run_scoped3A : memref<!tpu.dma_semaphore, #tpu.memory_space<semaphore_mem>>) src(%arg12 : memref<80x128xf32, #tpu.memory_space<vmem>>) dst(%dma_wait3A_125 : memref<10240x128xf32, #tpu.memory_space<vmem_shared>>)
        tpu.yield
      }) : () -> ()
      %get3A_110 = arith.constant 0 : index
      %get3A_111 = tpu.vector_load %arg10[%get3A_110] {strides = array<i32>} : memref<80xi32, #tpu.memory_space<vmem>>, vector<16xi32>,
      tpu.vector_store_idx %arg13[%get3A_111], %broadcast_in_dim3A_9 {add = true} : memref<10000xf32, #tpu.memory_space<vmem>>[vector<16xi32>], vector<16xf32>,
      %get3A_112 = arith.constant 16 : index
      %get3A_113 = tpu.vector_load %arg10[%get3A_112] {strides = array<i32>} : memref<80xi32, #tpu.memory_space<vmem>>, vector<16xi32>,
      tpu.vector_store_idx %arg13[%get3A_113], %broadcast_in_dim3A_9 {add = true} : memref<10000xf32, #tpu.memory_space<vmem>>[vector<16xi32>], vector<16xf32>,
      %get3A_114 = arith.constant 32 : index
      %get3A_115 = tpu.vector_load %arg10[%get3A_114] {strides = array<i32>} : memref<80xi32, #tpu.memory_space<vmem>>, vector<16xi32>,
      tpu.vector_store_idx %arg13[%get3A_115], %broadcast_in_dim3A_9 {add = true} : memref<10000xf32, #tpu.memory_space<vmem>>[vector<16xi32>], vector<16xf32>,
      %get3A_116 = arith.constant 48 : index
      %get3A_117 = tpu.vector_load %arg10[%get3A_116] {strides = array<i32>} : memref<80xi32, #tpu.memory_space<vmem>>, vector<16xi32>,
      tpu.vector_store_idx %arg13[%get3A_117], %broadcast_in_dim3A_9 {add = true} : memref<10000xf32, #tpu.memory_space<vmem>>[vector<16xi32>], vector<16xf32>,
      %get3A_118 = arith.constant 64 : index
      %get3A_119 = tpu.vector_load %arg10[%get3A_118] {strides = array<i32>} : memref<80xi32, #tpu.memory_space<vmem>>, vector<16xi32>,
      tpu.vector_store_idx %arg13[%get3A_119], %broadcast_in_dim3A_9 {add = true} : memref<10000xf32, #tpu.memory_space<vmem>>[vector<16xi32>], vector<16xf32>,
    }
    %scan3A_22 = arith.constant 62 : i32
    %dma_wait3A = arith.constant 9920 : i32
    %dma_wait3A_23 = tpu.memref_slice %arg8[%dma_wait3A] : memref<10000xi32, #tpu.memory_space<vmem>> -> memref<80xi32, #tpu.memory_space<vmem>>
    %dma_wait3A_24 = arith.constant 0 : i32
    %dma_wait3A_25 = arith.constant 0 : i32
    %dma_wait3A_26 = tpu.memref_slice %arg2[%dma_wait3A_24, %dma_wait3A_25] : memref<10000x128xf32, #tpu.memory_space<hbm>> -> memref<10000x128xf32, #tpu.memory_space<hbm>>
    tpu.wait_indirect_dma semaphore(%arg15 : memref<!tpu.dma_semaphore, #tpu.memory_space<semaphore_mem>>) src(%dma_wait3A_26 : memref<10000x128xf32, #tpu.memory_space<hbm>>) dst(%arg11 : memref<80x128xf32, #tpu.memory_space<vmem>>)
    %add3A_27 = arith.constant 9920 : i32
    %add3A_28 = arith.addi %mul3A_4, %add3A_27 : i32
    %dma_wait3A_29 = tpu.memref_slice %arg4[%add3A_28] : memref<320000xi32, #tpu.memory_space<hbm>> -> memref<80xi32, #tpu.memory_space<hbm>>
    %dma_wait3A_30 = tpu.memref_slice %arg4[%add3A_28] : memref<320000xi32, #tpu.memory_space<hbm>> -> memref<80xi32, #tpu.memory_space<hbm>>
    tpu.wait_dma2 semaphore(%arg17 : memref<!tpu.dma_semaphore, #tpu.memory_space<semaphore_mem>>) src(%dma_wait3A_30 : memref<80xi32, #tpu.memory_space<hbm>>) dst(%arg9 : memref<80xi32, #tpu.memory_space<vmem>>)
    "tpu.region"() ({
      %run_scoped3A = tpu.sem_alloc : memref<!tpu.dma_semaphore, #tpu.memory_space<semaphore_mem>>
      %dma_start3A_43 = arith.constant 0 : i32
      %dma_start3A_44 = arith.constant 0 : i32
      %dma_start3A_45 = tpu.memref_slice %arg14[%dma_start3A_43, %dma_start3A_44] : memref<10240x128xf32, #tpu.memory_space<vmem_shared>> -> memref<10240x128xf32, #tpu.memory_space<vmem_shared>>
      tpu.enqueue_indirect_dma source(%arg11 : memref<80x128xf32, #tpu.memory_space<vmem>>) target(%dma_start3A_45 : memref<10240x128xf32, #tpu.memory_space<vmem_shared>>) offsets(%arg9 : memref<80xi32, #tpu.memory_space<vmem>>) semaphore(%run_scoped3A : memref<!tpu.dma_semaphore, #tpu.memory_space<semaphore_mem>>) {add = true}
      %dma_wait3A_46 = arith.constant 0 : i32
      %dma_wait3A_47 = arith.constant 0 : i32
      %dma_wait3A_48 = tpu.memref_slice %arg14[%dma_wait3A_46, %dma_wait3A_47] : memref<10240x128xf32, #tpu.memory_space<vmem_shared>> -> memref<10240x128xf32, #tpu.memory_space<vmem_shared>>
      tpu.wait_indirect_dma semaphore(%run_scoped3A : memref<!tpu.dma_semaphore, #tpu.memory_space<semaphore_mem>>) src(%arg11 : memref<80x128xf32, #tpu.memory_space<vmem>>) dst(%dma_wait3A_48 : memref<10240x128xf32, #tpu.memory_space<vmem_shared>>)
      tpu.yield
    }) : () -> ()
    %get3A = arith.constant 0 : index
    %get3A_31 = tpu.vector_load %arg9[%get3A] {strides = array<i32>} : memref<80xi32, #tpu.memory_space<vmem>>, vector<16xi32>,
    tpu.vector_store_idx %arg13[%get3A_31], %broadcast_in_dim3A_9 {add = true} : memref<10000xf32, #tpu.memory_space<vmem>>[vector<16xi32>], vector<16xf32>,
    %get3A_32 = arith.constant 16 : index
    %get3A_33 = tpu.vector_load %arg9[%get3A_32] {strides = array<i32>} : memref<80xi32, #tpu.memory_space<vmem>>, vector<16xi32>,
    tpu.vector_store_idx %arg13[%get3A_33], %broadcast_in_dim3A_9 {add = true} : memref<10000xf32, #tpu.memory_space<vmem>>[vector<16xi32>], vector<16xf32>,
    %get3A_34 = arith.constant 32 : index
    %get3A_35 = tpu.vector_load %arg9[%get3A_34] {strides = array<i32>} : memref<80xi32, #tpu.memory_space<vmem>>, vector<16xi32>,
    tpu.vector_store_idx %arg13[%get3A_35], %broadcast_in_dim3A_9 {add = true} : memref<10000xf32, #tpu.memory_space<vmem>>[vector<16xi32>], vector<16xf32>,
    %get3A_36 = arith.constant 48 : index
    %get3A_37 = tpu.vector_load %arg9[%get3A_36] {strides = array<i32>} : memref<80xi32, #tpu.memory_space<vmem>>, vector<16xi32>,
    tpu.vector_store_idx %arg13[%get3A_37], %broadcast_in_dim3A_9 {add = true} : memref<10000xf32, #tpu.memory_space<vmem>>[vector<16xi32>], vector<16xf32>,
    %get3A_38 = arith.constant 64 : index
    %get3A_39 = tpu.vector_load %arg9[%get3A_38] {strides = array<i32>} : memref<80xi32, #tpu.memory_space<vmem>>, vector<16xi32>,
    tpu.vector_store_idx %arg13[%get3A_39], %broadcast_in_dim3A_9 {add = true} : memref<10000xf32, #tpu.memory_space<vmem>>[vector<16xi32>], vector<16xf32>,
    %barrier3A_40 = arith.constant 0 : index
    tpu.barrier barrier_id(%barrier3A_40)
    "tpu.region"() ({
      %run_scoped3A = tpu.sem_alloc : memref<!tpu.dma_semaphore, #tpu.memory_space<semaphore_mem>>
      %dma_start3A_43 = arith.constant 0 : i32
      %dma_start3A_44 = tpu.memref_slice %arg6[%arg0, %mul3A_0, %dma_start3A_43] : memref<2x10240x128xf32, #tpu.memory_space<hbm>> -> memref<1x640x128xf32, #tpu.memory_space<hbm>>
      %dma_start3A_45 = tpu.memref_squeeze %dma_start3A_44 : memref<1x640x128xf32, #tpu.memory_space<hbm>> -> memref<640x128xf32, #tpu.memory_space<hbm>>
      %dma_start3A_46 = arith.constant 0 : i32
      %dma_start3A_47 = tpu.memref_slice %arg14[%mul3A_0, %dma_start3A_46] : memref<10240x128xf32, #tpu.memory_space<vmem_shared>> -> memref<640x128xf32, #tpu.memory_space<vmem_shared>>
      tpu.enqueue_dma source(%dma_start3A_47 : memref<640x128xf32, #tpu.memory_space<vmem_shared>>) target(%dma_start3A_45 : memref<640x128xf32, #tpu.memory_space<hbm>>) target_semaphore(%run_scoped3A : memref<!tpu.dma_semaphore, #tpu.memory_space<semaphore_mem>>)
      %dma_wait3A_48 = arith.constant 0 : i32
      %dma_wait3A_49 = tpu.memref_slice %arg6[%arg0, %mul3A_0, %dma_wait3A_48] : memref<2x10240x128xf32, #tpu.memory_space<hbm>> -> memref<1x640x128xf32, #tpu.memory_space<hbm>>
      %dma_wait3A_50 = tpu.memref_squeeze %dma_wait3A_49 : memref<1x640x128xf32, #tpu.memory_space<hbm>> -> memref<640x128xf32, #tpu.memory_space<hbm>>
      %dma_wait3A_51 = arith.constant 0 : i32
      %dma_wait3A_52 = tpu.memref_slice %arg14[%mul3A_0, %dma_wait3A_51] : memref<10240x128xf32, #tpu.memory_space<vmem_shared>> -> memref<640x128xf32, #tpu.memory_space<vmem_shared>>
      tpu.wait_dma2 semaphore(%run_scoped3A : memref<!tpu.dma_semaphore, #tpu.memory_space<semaphore_mem>>) src(%dma_wait3A_52 : memref<640x128xf32, #tpu.memory_space<vmem_shared>>) dst(%dma_wait3A_50 : memref<640x128xf32, #tpu.memory_space<hbm>>)
      tpu.yield
    }) : () -> ()
    %mul3A_41 = arith.constant 10000 : i32
    %mul3A_42 = arith.muli %add3A, %mul3A_41 : i32
    "tpu.region"() ({
      %run_scoped3A = tpu.sem_alloc : memref<!tpu.dma_semaphore, #tpu.memory_space<semaphore_mem>>
      %dma_start3A_43 = tpu.memref_slice %arg7[%mul3A_42] : memref<320000xf32, #tpu.memory_space<hbm>> -> memref<10000xf32, #tpu.memory_space<hbm>>
      %dma_start3A_44 = tpu.memref_slice %arg7[%mul3A_42] : memref<320000xf32, #tpu.memory_space<hbm>> -> memref<10000xf32, #tpu.memory_space<hbm>>
      tpu.enqueue_dma source(%arg13 : memref<10000xf32, #tpu.memory_space<vmem>>) target(%dma_start3A_44 : memref<10000xf32, #tpu.memory_space<hbm>>) target_semaphore(%run_scoped3A : memref<!tpu.dma_semaphore, #tpu.memory_space<semaphore_mem>>)
      %dma_wait3A_45 = tpu.memref_slice %arg7[%mul3A_42] : memref<320000xf32, #tpu.memory_space<hbm>> -> memref<10000xf32, #tpu.memory_space<hbm>>
      %dma_wait3A_46 = tpu.memref_slice %arg7[%mul3A_42] : memref<320000xf32, #tpu.memory_space<hbm>> -> memref<10000xf32, #tpu.memory_space<hbm>>
      tpu.wait_dma2 semaphore(%run_scoped3A : memref<!tpu.dma_semaphore, #tpu.memory_space<semaphore_mem>>) src(%arg13 : memref<10000xf32, #tpu.memory_space<vmem>>) dst(%dma_wait3A_46 : memref<10000xf32, #tpu.memory_space<hbm>>)
      tpu.yield
    }) : () -> ()
    return
  }
}

module attributes {stable_mosaic.version = 14 : i64} {
  func.func @_tc_body(%arg0: i32, %arg1: memref<2x1000x128xf32, #tpu.memory_space<vmem>>, %arg2: memref<1000x32xf32, #tpu.memory_space<vmem>>, %arg3: memref<1000x128xf32, #tpu.memory_space<vmem>>, %arg4: memref<128x128xf32, #tpu.memory_space<vmem>>, %arg5: memref<1x128xf32, #tpu.memory_space<vmem>>, %arg6: memref<128x128xf32, #tpu.memory_space<vmem>>, %arg7: memref<128x64xf32, #tpu.memory_space<vmem>>, %arg8: memref<1x64xf32, #tpu.memory_space<vmem>>, %arg9: memref<1000x64xf32, #tpu.memory_space<vmem>>, %arg10: memref<1000x1xi32, #tpu.memory_space<vmem>>) attributes {dimension_semantics = [#tpu.dimension_semantics<arbitrary>], iteration_bounds = array<i64: 10>, scalar_prefetch = 0 : i64, scratch_operands = 0 : i64, tpu.core_type = #tpu.core_type<tc>, window_params = [{transform_indices = @transform_0, window_bounds = array<i64: 2, 1000, 128>}, {transform_indices = @transform_1, window_bounds = array<i64: 1000, 32>}, {transform_indices = @transform_2, window_bounds = array<i64: 1000, 128>}, {pipeline_mode = #tpu.pipeline_mode<synchronous>, transform_indices = @transform_3, window_bounds = array<i64: 128, 128>}, {pipeline_mode = #tpu.pipeline_mode<synchronous>, transform_indices = @transform_4, window_bounds = array<i64: 1, 128>}, {pipeline_mode = #tpu.pipeline_mode<synchronous>, transform_indices = @transform_5, window_bounds = array<i64: 128, 128>}, {pipeline_mode = #tpu.pipeline_mode<synchronous>, transform_indices = @transform_6, window_bounds = array<i64: 128, 64>}, {pipeline_mode = #tpu.pipeline_mode<synchronous>, transform_indices = @transform_7, window_bounds = array<i64: 1, 64>}, {transform_indices = @transform_8, window_bounds = array<i64: 1000, 64>}, {transform_indices = @transform_9, window_bounds = array<i64: 1000, 1>}]} {
    %get3A = arith.constant 0 : index
    %get3A_0 = arith.constant 0 : index
    %get3A_1 = arith.constant 0 : index
    %get3A_2 = vector.load %arg1[%get3A, %get3A_0, %get3A_1] : memref<2x1000x128xf32, #tpu.memory_space<vmem>>, vector<1x1000x128xf32>
    %get3A_3 = vector.shape_cast %get3A_2 : vector<1x1000x128xf32> to vector<1000x128xf32>
    %get3A_4 = arith.constant 1 : index
    %get3A_5 = arith.constant 0 : index
    %get3A_6 = arith.constant 0 : index
    %get3A_7 = vector.load %arg1[%get3A_4, %get3A_5, %get3A_6] : memref<2x1000x128xf32, #tpu.memory_space<vmem>>, vector<1x1000x128xf32>
    %get3A_8 = vector.shape_cast %get3A_7 : vector<1x1000x128xf32> to vector<1000x128xf32>
    %add3A = arith.addf %get3A_3, %get3A_8 : vector<1000x128xf32>
    %get3A_9 = arith.constant 0 : index
    %get3A_10 = arith.constant 0 : index
    %get3A_11 = vector.load %arg2[%get3A_9, %get3A_10] : memref<1000x32xf32, #tpu.memory_space<vmem>>, vector<1000x32xf32>
    %reduce_sum3A = arith.constant dense<0.000000e+00> : vector<1000xf32>
    %reduce_sum3A_12 = vector.multi_reduction <add>, %get3A_11, %reduce_sum3A [1] : vector<1000x32xf32> to vector<1000xf32>
    %max3A = arith.constant 1.000000e+00 : f32
    %max3A_13 = vector.broadcast %max3A : f32 to vector<1000xf32>
    %max3A_14 = arith.maximumf %reduce_sum3A_12, %max3A_13 : vector<1000xf32>
    %broadcast_in_dim3A = vector.shape_cast %max3A_14 : vector<1000xf32> to vector<1000x1xf32>
    %div3A = vector.broadcast %broadcast_in_dim3A : vector<1000x1xf32> to vector<1000x128xf32>
    %div3A_15 = arith.divf %add3A, %div3A : vector<1000x128xf32>
    %get3A_16 = arith.constant 0 : index
    %get3A_17 = arith.constant 0 : index
    %get3A_18 = vector.load %arg4[%get3A_16, %get3A_17] : memref<128x128xf32, #tpu.memory_space<vmem>>, vector<128x128xf32>
    %dot_general3A = arith.constant dense<0.000000e+00> : vector<1000x128xf32>
    %dot_general3A_19 = tpu.matmul %div3A_15, %get3A_18, %dot_general3A {dimension_numbers = #tpu.dot_dimension_numbers<[1], [0], [0], [1], [0, 0, 1, 1], [], []>, transpose_lhs_hint = false} : vector<1000x128xf32>, vector<128x128xf32>, vector<1000x128xf32> -> vector<1000x128xf32>
    %get3A_20 = arith.constant 0 : index
    %get3A_21 = arith.constant 0 : index
    %get3A_22 = vector.load %arg5[%get3A_20, %get3A_21] : memref<1x128xf32, #tpu.memory_space<vmem>>, vector<1x128xf32>
    %add3A_23 = vector.broadcast %get3A_22 : vector<1x128xf32> to vector<1000x128xf32>
    %add3A_24 = arith.addf %dot_general3A_19, %add3A_23 : vector<1000x128xf32>
    %get3A_25 = arith.constant 0 : index
    %get3A_26 = arith.constant 0 : index
    %get3A_27 = vector.load %arg3[%get3A_25, %get3A_26] : memref<1000x128xf32, #tpu.memory_space<vmem>>, vector<1000x128xf32>
    %get3A_28 = arith.constant 0 : index
    %get3A_29 = arith.constant 0 : index
    %get3A_30 = vector.load %arg6[%get3A_28, %get3A_29] : memref<128x128xf32, #tpu.memory_space<vmem>>, vector<128x128xf32>
    %dot_general3A_31 = arith.constant dense<0.000000e+00> : vector<1000x128xf32>
    %dot_general3A_32 = tpu.matmul %get3A_27, %get3A_30, %dot_general3A_31 {dimension_numbers = #tpu.dot_dimension_numbers<[1], [0], [0], [1], [0, 0, 1, 1], [], []>, transpose_lhs_hint = false} : vector<1000x128xf32>, vector<128x128xf32>, vector<1000x128xf32> -> vector<1000x128xf32>
    %add3A_33 = arith.addf %add3A_24, %dot_general3A_32 : vector<1000x128xf32>
    %max3A_34 = arith.constant 0.000000e+00 : f32
    %max3A_35 = vector.broadcast %max3A_34 : f32 to vector<1000x128xf32>
    %max3A_36 = arith.maximumf %add3A_33, %max3A_35 : vector<1000x128xf32>
    %get3A_37 = arith.constant 0 : index
    %get3A_38 = arith.constant 0 : index
    %get3A_39 = vector.load %arg7[%get3A_37, %get3A_38] : memref<128x64xf32, #tpu.memory_space<vmem>>, vector<128x64xf32>
    %dot_general3A_40 = arith.constant dense<0.000000e+00> : vector<1000x64xf32>
    %dot_general3A_41 = tpu.matmul %max3A_36, %get3A_39, %dot_general3A_40 {dimension_numbers = #tpu.dot_dimension_numbers<[1], [0], [0], [1], [0, 0, 1, 1], [], []>, transpose_lhs_hint = false} : vector<1000x128xf32>, vector<128x64xf32>, vector<1000x64xf32> -> vector<1000x64xf32>
    %get3A_42 = arith.constant 0 : index
    %get3A_43 = arith.constant 0 : index
    %get3A_44 = vector.load %arg8[%get3A_42, %get3A_43] : memref<1x64xf32, #tpu.memory_space<vmem>>, vector<1x64xf32>
    %add3A_45 = vector.broadcast %get3A_44 : vector<1x64xf32> to vector<1000x64xf32>
    %add3A_46 = arith.addf %dot_general3A_41, %add3A_45 : vector<1000x64xf32>
    %reduce_max3A = arith.constant dense<0xFF800000> : vector<1000xf32>
    %reduce_max3A_47 = vector.multi_reduction <maximumf>, %add3A_46, %reduce_max3A [1] : vector<1000x64xf32> to vector<1000xf32>
    %broadcast_in_dim3A_48 = vector.shape_cast %reduce_max3A_47 : vector<1000xf32> to vector<1000x1xf32>
    %sub3A = vector.broadcast %broadcast_in_dim3A_48 : vector<1000x1xf32> to vector<1000x64xf32>
    %sub3A_49 = arith.subf %add3A_46, %sub3A : vector<1000x64xf32>
    %exp3A = math.exp %sub3A_49 : vector<1000x64xf32>
    %reduce_sum3A_50 = arith.constant dense<0.000000e+00> : vector<1000xf32>
    %reduce_sum3A_51 = vector.multi_reduction <add>, %exp3A, %reduce_sum3A_50 [1] : vector<1000x64xf32> to vector<1000xf32>
    %broadcast_in_dim3A_52 = vector.shape_cast %reduce_sum3A_51 : vector<1000xf32> to vector<1000x1xf32>
    %log3A = math.log %broadcast_in_dim3A_52 : vector<1000x1xf32>
    %add3A_53 = arith.addf %log3A, %broadcast_in_dim3A_48 : vector<1000x1xf32>
    %sub3A_54 = vector.broadcast %add3A_53 : vector<1000x1xf32> to vector<1000x64xf32>
    %sub3A_55 = arith.subf %add3A_46, %sub3A_54 : vector<1000x64xf32>
    %swap3A = arith.constant 0 : index
    %swap3A_56 = arith.constant 0 : index
    %swap3A_57 = vector.load %arg9[%swap3A, %swap3A_56] : memref<1000x64xf32, #tpu.memory_space<vmem>>, vector<1000x64xf32>
    tpu.vector_store %arg9[%swap3A, %swap3A_56], %sub3A_55 {strides = array<i32>} : memref<1000x64xf32, #tpu.memory_space<vmem>>, vector<1000x64xf32>,
    %argmax3A = tpu.reduce_index %sub3A_55 {axis = 1 : i32, kind = #tpu.reduction_kind<arg_max>} : vector<1000x64xf32> -> vector<1000xi32>
    %broadcast_in_dim3A_58 = vector.shape_cast %argmax3A : vector<1000xi32> to vector<1000x1xi32>
    %swap3A_59 = arith.constant 0 : index
    %swap3A_60 = arith.constant 0 : index
    %swap3A_61 = vector.load %arg10[%swap3A_59, %swap3A_60] : memref<1000x1xi32, #tpu.memory_space<vmem>>, vector<1000x1xi32>
    tpu.vector_store %arg10[%swap3A_59, %swap3A_60], %broadcast_in_dim3A_58 {strides = array<i32>} : memref<1000x1xi32, #tpu.memory_space<vmem>>, vector<1000x1xi32>,
    return
  }
  func.func @transform_0(%arg0: i32) -> (i32, i32, i32) {
    %c0_i32 = arith.constant 0 : i32
    %c0_i32_0 = arith.constant 0 : i32
    %c0_i32_1 = arith.constant 0 : i32
    return %c0_i32, %arg0, %c0_i32_0 : i32, i32, i32
  }
  func.func @transform_1(%arg0: i32) -> (i32, i32) {
    %c0_i32 = arith.constant 0 : i32
    %c0_i32_0 = arith.constant 0 : i32
    return %arg0, %c0_i32 : i32, i32
  }
  func.func @transform_2(%arg0: i32) -> (i32, i32) {
    %c0_i32 = arith.constant 0 : i32
    %c0_i32_0 = arith.constant 0 : i32
    return %arg0, %c0_i32 : i32, i32
  }
  func.func @transform_3(%arg0: i32) -> (i32, i32) {
    %c0_i32 = arith.constant 0 : i32
    %c0_i32_0 = arith.constant 0 : i32
    %c0_i32_1 = arith.constant 0 : i32
    return %c0_i32, %c0_i32_0 : i32, i32
  }
  func.func @transform_4(%arg0: i32) -> (i32, i32) {
    %c0_i32 = arith.constant 0 : i32
    %c0_i32_0 = arith.constant 0 : i32
    %c0_i32_1 = arith.constant 0 : i32
    return %c0_i32, %c0_i32_0 : i32, i32
  }
  func.func @transform_5(%arg0: i32) -> (i32, i32) {
    %c0_i32 = arith.constant 0 : i32
    %c0_i32_0 = arith.constant 0 : i32
    %c0_i32_1 = arith.constant 0 : i32
    return %c0_i32, %c0_i32_0 : i32, i32
  }
  func.func @transform_6(%arg0: i32) -> (i32, i32) {
    %c0_i32 = arith.constant 0 : i32
    %c0_i32_0 = arith.constant 0 : i32
    %c0_i32_1 = arith.constant 0 : i32
    return %c0_i32, %c0_i32_0 : i32, i32
  }
  func.func @transform_7(%arg0: i32) -> (i32, i32) {
    %c0_i32 = arith.constant 0 : i32
    %c0_i32_0 = arith.constant 0 : i32
    %c0_i32_1 = arith.constant 0 : i32
    return %c0_i32, %c0_i32_0 : i32, i32
  }
  func.func @transform_8(%arg0: i32) -> (i32, i32) {
    %c0_i32 = arith.constant 0 : i32
    %c0_i32_0 = arith.constant 0 : i32
    return %arg0, %c0_i32 : i32, i32
  }
  func.func @transform_9(%arg0: i32) -> (i32, i32) {
    %c0_i32 = arith.constant 0 : i32
    %c0_i32_0 = arith.constant 0 : i32
    return %arg0, %c0_i32 : i32, i32
  }
}

</mosaic_0001>

<sc_bundles>
// kernel: kernel.4.cloned.1.call-start
scs
__scs_entry_jumppad:
0x0: {  	(pc) =	sbr.rel $0x88, $3  }
0x1: {  	(tag) =	ssettag $0x0;
	lr =	simm.s32 $0x1  }
0x2: {  	[smem:$0x3F9A] =	sst lr;
	_ =	strace $0xD0000000  }
0x3: {  	_ = 	snop  }
0x4: {  	_ = 	snop  }
0x5: {  	_ = 	snop  }
0x6: {  	_ = 	snop  }
0x7: {  	_ = 	snop  }
__scs_overlays_trampoline_lowered:
0x8: {  	[smem:$0x3FA9] =	sst s0  }
0x9: {  	[smem:$0x3FAA] =	sst s1  }
0xa: {  	[smem:$0x3FAB] =	sst s2  }
0xb: {  	[smem:$0x3FAC] =	sst s3  }
0xc: {  	[smem:$0x3FAD] =	sst s4  }
0xd: {  	[smem:$0x3FAE] =	sst s5  }
0xe: {  	[smem:$0x3FAF] =	sst s6  }
0xf: {  	[smem:$0x3FB0] =	sst s7  }
0x10: {  	[smem:$0x3FB1] =	sst s8  }
0x11: {  	[smem:$0x3FB2] =	sst s9;
	s0 =	simm.s32 @!p0 $0x0  }
0x12: {  	s1 =	sld [smem:$0x3F98];
	s0 =	simm.s32 @p0 $0x1  }
0x13: {  	[smem:$0x3FB3] =	sst s0;
	s0 =	simm.s32 @!p1 $0x0  }
0x14: {  	s2 =	sld [smem:$0x3F97];
	s0 =	simm.s32 @p1 $0x1  }
0x15: {  	[smem:$0x3FB4] =	sst s0;
	s0 =	simm.s32 @!p2 $0x0  }
0x16: {  	s3 =	sld [smem:$0x3FDB];
	s0 =	simm.s32 @p2 $0x1  }
0x17: {  	s4 =	simm.s32 $0x1BF5;
	[smem:$0x3FB6] =	sst s0  }
0x18: {  	s0 =	sld [smem:$0x3F99];
	_ =	swait.ge [sflag:s4], $0x0  }
0x19: {  	s7 =	sld [smem:$0x3F9A]  }
0x1a: {  	s8 =	sadd.s32 $0xFFFFE003, lr  }
0x1b: {  	s9 =	sadd.s32 $0xFFFFFEF7, lr;
	s5 =	simm.s32 $0xFFFFFFFF;
	p2 =	slt.u32 s8, $0xFFFFF086  }
0x1c: {  	p1 =	slt.u32 s9, $0xF7A;
	s5 =	simm.s32 @!p2 $0x0  }
0x1d: {  	s5 =	simm.s32 @p1 $0x1;
	p0 =	seq.s32 s7, s2  }
0x1e: {  	s7 =	smul.u32 @!p0 $0xF7A, s2;
	p2 =	seq.s32 @!p0 s5, $0x0  }
0x1f: {  	s9 =	smul.u32 $0xF7A, s1;
	s8 =	simm.s32 @!p0 $0x1BF5;
	p2 =	por !p2, p0  }
0x20: {  	[sflag:s8] =	ssyncset.s32 @!p0 $0xFFFFF086;
	s6 =	sadd.s32 @!p0 s3, s7;
	s7 =	simm.s32 @!p0 $0x108  }
0x21: {  	s3 =	sadd.s32 s3, s9;
	s6 =	sadd.s32 @!p0 $0x88, s6;
	s7 =	simm.s32 @p2 $0x1082  }
0x22: {  	[simem:s7], [sflag:s8] =	dma.local @!p0 [hbm:s6], $0xF7A  }
0x23: {  	s9 =	sor.u32 $0xD0000000, s2;
	s6 =	simm.s32 $0x108;
	_ =	swait.ge @!p0 [sflag:s8], $0x0  }
0x24: {  	s3 =	sadd.s32 $0x88, s3;
	s6 =	simm.s32 @!p1 $0x1082;
	[sflag:s4] =	ssyncset.s32 $0xFFFFF086  }
0x25: {  	[simem:s6], [sflag:s4] =	dma.local [hbm:s3], $0xF7A  }
0x26: {  	[smem:$0x3F9A] =	sst s1;
	(tag) =	ssettag s2;
	_ =	strace s9  }
0x27: {  	s1 =	sld [smem:$0x3FAA]  }
0x28: {  	s2 =	sld [smem:$0x3FAB]  }
0x29: {  	s4 =	sld [smem:$0x3FAD]  }
0x2a: {  	p0 =	seq.s32 s5, $0x0;
	s5 =	sld [smem:$0x3FAE]  }
0x2b: {  	s6 =	sld [smem:$0x3FAF]  }
0x2c: {  	s7 =	sld [smem:$0x3FB0]  }
0x2d: {  	s3 =	simm.s32 $0x108;
	s8 =	sld [smem:$0x3FB1]  }
0x2e: {  	s3 =	simm.s32 @!p0 $0x1082;
	s9 =	sld [smem:$0x3FB2]  }
0x2f: {  	lr =	sadd.s32 s0, s3;
	s0 =	sld [smem:$0x3FA9]  }
0x30: {  	s3 =	sld [smem:$0x3FAC]  }
0x31: {  	[smem:$0x3FB5] =	sst s10  }
0x32: {  	s10 =	sld [smem:$0x3FB3];
	_ =	sdelay $0x3  }
0x33: {  	p0 =	seq.s32 s10, $0x1;
	s10 =	sld [smem:$0x3FB5];
	_ =	sdelay $0x3  }
0x34: {  	[smem:$0x3FB5] =	sst s10  }
0x35: {  	s10 =	sld [smem:$0x3FB4];
	_ =	sdelay $0x3  }
0x36: {  	p1 =	seq.s32 s10, $0x1;
	s10 =	sld [smem:$0x3FB5];
	_ =	sdelay $0x3  }
0x37: {  	[smem:$0x3FB5] =	sst s10  }
0x38: {  	s10 =	sld [smem:$0x3FB6]  }
0x39: {  	_ = 	snop;
	(pc) =	sbr.ind lr, $3  }
0x3a: {  	_ = 	snop  }
0x3b: {  	_ = 	snop  }
0x3c: {  	p2 =	seq.s32 s10, $0x1;
	s10 =	sld [smem:$0x3FB5]  }
0x3d: {  	_ =	shalt  }
0x3e: {  	_ =	shalt  }
0x3f: {  	_ =	shalt  }
0x40: {  	_ =	shalt  }
0x41: {  	_ =	shalt  }
0x42: {  	_ =	shalt  }
0x43: {  	_ =	shalt  }
0x44: {  	_ =	shalt  }
0x45: {  	_ =	shalt  }
0x46: {  	_ =	shalt  }
0x47: {  	_ =	shalt  }
0x48: {  	_ =	shalt  }
0x49: {  	_ =	shalt  }
0x4a: {  	_ =	shalt  }
0x4b: {  	_ =	shalt  }
0x4c: {  	_ =	shalt  }
0x4d: {  	_ =	shalt  }
0x4e: {  	_ =	shalt  }
0x4f: {  	_ =	shalt  }
0x50: {  	_ =	shalt  }
0x51: {  	_ =	shalt  }
0x52: {  	_ =	shalt  }
0x53: {  	_ =	shalt  }
0x54: {  	_ =	shalt  }
0x55: {  	_ =	shalt  }
0x56: {  	_ =	shalt  }
0x57: {  	_ =	shalt  }
0x58: {  	_ =	shalt  }
0x59: {  	_ =	shalt  }
0x5a: {  	_ =	shalt  }
0x5b: {  	_ =	shalt  }
0x5c: {  	_ =	shalt  }
0x5d: {  	_ =	shalt  }
0x5e: {  	_ =	shalt  }
0x5f: {  	_ =	shalt  }
0x60: {  	_ =	shalt  }
0x61: {  	_ =	shalt  }
0x62: {  	_ =	shalt  }
0x63: {  	_ =	shalt  }
0x64: {  	_ =	shalt  }
0x65: {  	_ =	shalt  }
0x66: {  	_ =	shalt  }
0x67: {  	_ =	shalt  }
0x68: {  	_ =	shalt  }
0x69: {  	_ =	shalt  }
0x6a: {  	_ =	shalt  }
0x6b: {  	_ =	shalt  }
0x6c: {  	_ =	shalt  }
0x6d: {  	_ =	shalt  }
0x6e: {  	_ =	shalt  }
0x6f: {  	_ =	shalt  }
0x70: {  	_ =	shalt  }
0x71: {  	_ =	shalt  }
0x72: {  	_ =	shalt  }
0x73: {  	_ =	shalt  }
0x74: {  	_ =	shalt  }
0x75: {  	_ =	shalt  }
0x76: {  	_ =	shalt  }
0x77: {  	_ =	shalt  }
0x78: {  	_ =	shalt  }
0x79: {  	_ =	shalt  }
0x7a: {  	_ =	shalt  }
0x7b: {  	_ =	shalt  }
0x7c: {  	_ =	shalt  }
0x7d: {  	_ =	shalt  }
0x7e: {  	_ =	shalt  }
0x7f: {  	_ =	shalt  }
0x80: {  	_ =	shalt  }
0x81: {  	_ =	shalt  }
0x82: {  	_ =	shalt  }
0x83: {  	_ =	shalt  }
0x84: {  	_ =	shalt  }
0x85: {  	_ =	shalt  }
0x86: {  	_ =	shalt  }
0x87: {  	_ =	shalt  }
.Lfunc_end0:
.L_simem_size_0:
called_computation_lowered:
.L_overlay_start_0:
0x88: {  	s2 =	sld [smem:$0x3FD9]  }
0x89: {  	s3 =	sld [smem:$0x3FFE];
	_ =	sdelay $0x1  }
0x8a: {  	s1 =	srdreg.scid  }
0x8b: {  	s0 =	sand.u32 $0x1, s1  }
0x8c: {  	s14 =	sshll.u32 s0, $0xA;
	s2 =	sadd.s32 s3, s2  }
0x8d: {  	s2 =	sadd.s32 s2, s14  }
0x8e: {  	[smem:$0x3FC1] =	sst s2  }
0x8f: {  	_ = 	snop  }
0x90: {  	s2 =	sld [smem:$0x3FD0];
	_ =	sdelay $0x2  }
0x91: {  	s4 =	simm.s32 $0xA;
	s5 =	simm.s32 $0x10;
	s15 =	sld [smem:$0x3FC9]  }
0x92: {  	[smem:s5], [sflag:s4] =	dma.local [hbm:s2], $0x1  }
0x93: {  	_ =	swait.eq [sflag:s4], $0x1  }
0x94: {  	[sflag:s4] =	ssyncset.done $0x0  }
0x95: {  	[sflag:s4] =	ssyncadd.s32 $0xFFFFFFFF  }
0x96: {  	s16 =	sld [smem:$0x11];
	(tm) =	ssettm $0x1  }
0x97: {  	s17 =	sld [smem:$0x3FFB];
	_ =	sdelay $0x3  }
0x98: {  	_ =	strace s17  }
0x99: {  	s4 =	sld [smem:$0x3FFC];
	_ =	sdelay $0x3  }
0x9a: {  	_ =	strace s4  }
0x9b: {  	s4 =	sld [smem:$0x3FFD];
	_ =	sdelay $0x3  }
0x9c: {  	_ =	strace s4  }
0x9d: {  	_ =	strace $0x8FFFFFFF  }
0x9e: {  	s18 =	sld [smem:$0x3FDB];
	_ =	sdelay $0x1  }
0x9f: {  	s19 =	simm.s32 $_scs_section_size  }
0xa0: {  	s6 =	simm.s32 $_size__tile_overlayer_lowered;
	s7 =	simm.s32 $_tile_overlayer_lowered  }
0xa1: {  	s22 =	simm.s32 $0x1BFF;
	s21 =	sshll.u32 s7, $0x1;
	s4 =	sadd.s32 s19, s18  }
0xa2: {  	s8 =	simm.s32 $0x0;
	s20 =	sshll.u32 s6, $0x1;
	s6 =	sadd.s32 s21, s4  }
0xa3: {  	[timem:s8], [sflag:s22] =	dma.local [hbm:s6], s20  }
0xa4: {  	_ =	swait.ge [sflag:s22], s20  }
0xa5: {  	s5 =	ssub.s32 $0x0, s20;
	[sflag:s22] =	ssyncset.done $0x0  }
0xa6: {  	[sflag:s22] =	ssyncadd.s32 s5;
	_ =	sdelay $0x1  }
0xa7: {  	s23 =	simm.s32 $0x1B8B  }
0xa8: {  	_ =	swait.ge [sflag:s23], $0x1  }
0xa9: {  	[sflag:s23] =	ssyncset.done $0x0  }
0xaa: {  	s25 =	simm.s32 $0x1B8E;
	s24 =	sld [smem:$0x3FFE];
	[sflag:s23] =	ssyncadd.s32 $0xFFFFFFFF  }
0xab: {  	s26 =	simm.s32 $execute0_lowered;
	[smem:$0x3FD2] =	sst s25  }
0xac: {  	s6 =	sshll.u32 s26, $0x1;
	_ =	strace $0x80000046;
	[dreg:$0x1] =	wrdreg $0xFFFFFFFF  }
0xad: {  	s28 =	simm.s32 $_size_execute0_lowered;
	s4 =	sadd.s32 s4, s6;
	[dreg:$0x0] =	wrdreg $0x0  }
0xae: {  	s6 =	sshll.u32 s28, $0x1;
	[dreg:$0x2] =	wrdreg s4  }
0xaf: {  	[dreg:$0x3] =	wrdreg s6  }
0xb0: {  	[dreg:$0x4] =	wrdreg $0xC0  }
0xb1: {  	_ =	task [dreg:s8], $0x5FFFF  }
0xb2: {  	[dreg:$0x1] =	wrdreg $0xFFFFFFFF  }
0xb3: {  	[dreg:$0x0] =	wrdreg $0x60  }
0xb4: {  	[dreg:$0x2] =	wrdreg s15  }
0xb5: {  	[dreg:$0x3] =	wrdreg s24  }
0xb6: {  	[dreg:$0x4] =	wrdreg s16  }
0xb7: {  	[dreg:$0x5] =	wrdreg $0xA0000  }
0xb8: {  	[dreg:$0x6] =	wrdreg $0x9  }
0xb9: {  	_ =	task.clear_ibuf [dreg:s8], $0x7FFFF;
	_ =	strace $0x90000046  }
0xba: {  	s29 =	simm.s32 $0x9;
	_ =	strace $0x80000048  }
0xbb: {  	_ =	swait.ge [sflag:s29], $0x1  }
0xbc: {  	[sflag:s29] =	ssyncadd.s32 $0xFFFFFFFF  }
0xbd: {  	_ =	strace $0x90000048  }
0xbe: {  	_ =	sfence  }
0xbf: {  	s30 =	sld [smem:$0x0];
	_ =	sdelay $0x2  }
0xc0: {  	s31 =	sshll.u32 s1, $0xD;
	s1 =	sshrl.u32 s1, $0x2  }
0xc1: {  	s3 =	sand.u32 $0x4000, s31;
	s1 =	sadd.s32 s1, s30  }
0xc2: {  	s0 =	sor.u32 s3, s0;
	s1 =	sshll.u32 s1, $0x11  }
0xc3: {  	s0 =	sor.u32 s1, s0  }
0xc4: {  	s0 =	sadd.s32 $0x8F2B, s0  }
0xc5: {  	[sflag:s0] =	ssyncadd.remote.s32 $0x1  }
0xc6: {  	_ =	sfence.sel $0xFFFF  }
0xc7: {  	[dreg:$0x0] =	wrdreg $0xFFFFFFFF;
	(pc) =	sbr.abs _section_cstart, $3  }
0xc8: {  	[dreg:$0x1] =	wrdreg $0xFFFFFFFF  }
0xc9: {  	_ =	task.clear_ibuf [dreg:s8], $0x2FFFF;
	_ =	strace $0x9FFFFFFF  }
0xca: {  	(tm) =	ssettm $0x7FFFFFFF  }
0xcb: {  	_ =	shalt  }
tec
execute0_lowered:
.L_overlay_start_1:
0x0: {  	(tag) =	ssettag $0x1  }
0x1: {  	s1 =	rddreg [dreg:$0x0]  }
0x2: {  	s6 =	rddreg [dreg:$0x1];
	s0 =	stileid.u32  }
0x3: {  	s2 =	srdreg.scid;
	s3 =	rddreg [dreg:$0x2]  }
0x4: {  	s4 =	rddreg [dreg:$0x3];
	s5 =	simm.s32 $0x0;
	s17 =	simm.s32 $0x50  }
0x5: {  	s18 =	simm.s32 $0x2880;
	s19 =	simm.s32 $0x2780;
	s20 =	simm.s32 $0x1  }
0x6: {  	s21 =	simm.s32 $0x3;
	s22 =	simm.s32 $0x5080;
	s23 =	simm.s32 $0x2800  }
0x7: {  	s24 =	simm.s32 $0x7880;
	s25 =	simm.s32 $0x2;
	s7 =	smul.u32 $0x14000, s0  }
0x8: {  	s28 =	simm.s32 $0x0;
	s8 =	sand.u32 $0x1, s2;
	s12 =	smul.u32 $0x50000, s0  }
0x9: {  	[smem:$0x7FF] =	sst s5;
	s30 =	smul.u32 $0x2710, s0;
	s15 =	sshll.u32 s0, $0x6  }
0xa: {  	s9 =	smul.u32 $0x140000, s8;
	s10 =	sshll.u32 s8, $0x4;
	_ =	strace $0x80000047  }
0xb: {  	s11 =	ssub.s32 $0x2, s8;
	s14 =	smul.u32 $0x27100, s8;
	s15 =	sor.u32 $0x1C05, s15  }
0xc: {  	s10 =	sor.u32 s0, s10;
	s26 =	sshrl.u32 s11, $0x1;
	s29 =	sshrl.u32 s12, $0x2  }
0xd: {  	s9 =	sadd.s32 s7, s9;
	s7 =	sshrl.u32 s7, $0x3;
	s10 =	smul.u32 $0x2710, s10  }
0xe: {  	s11 =	ssub.s32 s11, s26;
	s16 =	sadd.s32 s29, s4;
	s12 =	sadd.s32 s30, s14  }
0xf: {  	s14 =	simm.s32 $0x5;
	s26 =	simm.s32 $0x4;
	s9 =	sshrl.u32 s9, $0x3  }
0x10: {  	s7 =	sadd.s32 s7, s6;
	s11 =	smax.u32 s11, $0x1;
	s31 =	sadd.s32 $0x50, s12  }
0x11: {  	s12 =	sadd.s32 $0xA0, s12;
	s16 =	sshrl.u32 s16, $0x3;
	s10 =	sshrl.u32 s10, $0x3  }
0x12: {  	s9 =	sadd.s32 s9, s6;
	s13 =	sadd.s32 s10, s6;
	s8 =	sadd.s32 s3, s10  }
0x13: {  	s6 =	sadd.s32 $0xE00, s13;
	s10 =	sadd.s32 $0x32C00, s13;
	s13 =	sshrl.u32 s31, $0x3  }
0x14: {  	v0 =	vimm.f32 $0.0e+00;
	v1 =	vimm.f32 $1.000000000e+00;
	s7 =	sadd.s32 $0xAC00, s7;
	s9 =	sadd.s32 $0x3CA00, s9;
	s13 =	sadd.s32 s13, s3  }
.LBB2_1:
0x15: {  	[tilespmem:s5], [sflag:$0x5] =	stream.linear.gather [hbm4b:s6+s5], $0x2710, $0x38;
	[tilespmem:$0x1E000] =	vst v63  }
0x16: {  	_ =	swait.ge [sflag:s14], $0x2710  }
0x17: {  	[sflag:s14] =	ssyncset.done $0x0  }
0x18: {  	[sflag:s14] =	ssyncadd.s32 $0xFFFFD8F0  }
0x19: {  	[spmem:s16], [sflag:s15] =	dma.local [hbm:s7], $0x2800  }
0x1a: {  	_ =	swait.ge [sflag:s14], $0x2800  }
0x1b: {  	[sflag:s14] =	ssyncset.done $0x0  }
0x1c: {  	s29 =	simm.s32 $0x40;
	s30 =	simm.s32 $0x0;
	[sflag:s14] =	ssyncadd.s32 $0xFFFFD800  }
.LBB2_2:
0x1d: {  	p0 =	sne.s32 s29, $0x9C00;
	[tilespmem:s30+$0x7880] =	vst v0;
	s30 =	smov.u32 s29;
	s29 =	sadd.s32 $0x40, s29  }
.Ltmp0:
0x1e: {  	(pc) =	sbr.rel @p0 .LBB2_2-.Ltmp0, $2  }
0x1f: {  	_ =	sdelay $0x2  }
0x20: {  	s30 =	sshra.s32 s30, $0x2  }
0x21: {  	[tilespmem:s30+$0x7880] =	vst v0  }
0x22: {  	s29 =	simm.s32 $0x0;
	[bflag:$0x0] =	sbarrier.arrive $0xFFFF  }
0x23: {  	[tilespmem:s18], [sflag:$0x1] =	stream.indirect.gather [hbm4b:s1+s17], $0x80, s29, s17, $0xb8;
	[tilespmem:$0x1E000] =	vst v63  }
0x24: {  	s30 =	simm.s32 $0xA0;
	s31 =	smov.u32 s12  }
0x25: {  	[tilespmem:s19], [sflag:$0x3] =	stream.linear.gather [hbm4b:s8+s29], $0x50, $0x38;
	[tilespmem:$0x1E000] =	vst v63  }
.LBB2_4:
0x26: {  	_ =	swait.ge [sflag:s20], $0x2800  }
0x27: {  	[sflag:s20] =	ssyncset.done $0x0  }
0x28: {  	[sflag:s20] =	ssyncadd.s32 $0xFFFFD800  }
0x29: {  	_ =	swait.ge [sflag:s21], $0x50  }
0x2a: {  	[sflag:s21] =	ssyncset.done $0x0  }
0x2b: {  	s2 =	sadd.s32 $0xFFFFFFB0, s30;
	[sflag:s21] =	ssyncadd.s32 $0xFFFFFFB0  }
0x2c: {  	[tilespmem:s22], [sflag:$0x2] =	stream.indirect.gather [hbm4b:s1+s17], $0x80, s2, s17, $0xb8;
	[tilespmem:$0x1E000] =	vst v63  }
0x2d: {  	s2 =	sadd.s32 s29, s13  }
0x2e: {  	[tilespmem:s23], [sflag:$0x4] =	stream.linear.gather [hbm4b:s2+s5], $0x50, $0x38;
	[tilespmem:$0x1E000] =	vst v63  }
0x2f: {  	_ = 	snop  }
0x30: {  	[spmem:s4] =	stream.indirect.scatter.add.f32 [tilespmem:s18], [sflag:$0x5], $0x80, s19, s17, $0xb8;
	[tilespmem:$0x1E000] =	vst v63  }
0x31: {  	_ =	swait.ge [sflag:s14], $0x2800  }
0x32: {  	[sflag:s14] =	ssyncset.done $0x0  }
0x33: {  	[sflag:s14] =	ssyncadd.s32 $0xFFFFD800  }
0x34: {  	v2 =	vld [tilespmem:$0x2780];
	_ =	sdelay $0x7  }
0x35: {  	[tilespmem:v2+s24+$0x0] =	vst.idx.add.f32.msk $0xffff, v1  }
0x36: {  	v2 =	vld [tilespmem:$0x2790];
	_ =	sdelay $0x7  }
0x37: {  	[tilespmem:v2+s24+$0x0] =	vst.idx.add.f32.msk $0xffff, v1  }
0x38: {  	v2 =	vld [tilespmem:$0x27A0];
	_ =	sdelay $0x7  }
0x39: {  	[tilespmem:v2+s24+$0x0] =	vst.idx.add.f32.msk $0xffff, v1  }
0x3a: {  	v2 =	vld [tilespmem:$0x27B0];
	_ =	sdelay $0x7  }
0x3b: {  	[tilespmem:v2+s24+$0x0] =	vst.idx.add.f32.msk $0xffff, v1  }
0x3c: {  	v2 =	vld [tilespmem:$0x27C0];
	_ =	sdelay $0x7  }
0x3d: {  	[tilespmem:v2+s24+$0x0] =	vst.idx.add.f32.msk $0xffff, v1  }
0x3e: {  	_ =	swait.ge [sflag:s25], $0x2800  }
0x3f: {  	[sflag:s25] =	ssyncset.done $0x0  }
0x40: {  	[sflag:s25] =	ssyncadd.s32 $0xFFFFD800  }
0x41: {  	_ =	swait.ge [sflag:s26], $0x50  }
0x42: {  	[sflag:s26] =	ssyncset.done $0x0  }
0x43: {  	s2 =	sshrl.u32 s31, $0x3;
	[sflag:s26] =	ssyncadd.s32 $0xFFFFFFB0  }
0x44: {  	[tilespmem:s18], [sflag:$0x1] =	stream.indirect.gather [hbm4b:s1+s17], $0x80, s30, s17, $0xb8;
	[tilespmem:$0x1E000] =	vst v63  }
0x45: {  	s2 =	sadd.s32 s3, s2  }
0x46: {  	[tilespmem:s19], [sflag:$0x3] =	stream.linear.gather [hbm4b:s2+s5], $0x50, $0x38;
	[tilespmem:$0x1E000] =	vst v63  }
0x47: {  	_ = 	snop  }
0x48: {  	[spmem:s4] =	stream.indirect.scatter.add.f32 [tilespmem:s22], [sflag:$0x5], $0x80, s23, s17, $0xb8;
	[tilespmem:$0x1E000] =	vst v63  }
0x49: {  	_ =	swait.ge [sflag:s14], $0x2800  }
0x4a: {  	[sflag:s14] =	ssyncset.done $0x0  }
0x4b: {  	[sflag:s14] =	ssyncadd.s32 $0xFFFFD800  }
0x4c: {  	v2 =	vld [tilespmem:$0x2800];
	_ =	sdelay $0x7  }
0x4d: {  	[tilespmem:v2+s24+$0x0] =	vst.idx.add.f32.msk $0xffff, v1  }
0x4e: {  	v2 =	vld [tilespmem:$0x2810];
	_ =	sdelay $0x7  }
0x4f: {  	[tilespmem:v2+s24+$0x0] =	vst.idx.add.f32.msk $0xffff, v1  }
0x50: {  	v2 =	vld [tilespmem:$0x2820];
	_ =	sdelay $0x7  }
0x51: {  	[tilespmem:v2+s24+$0x0] =	vst.idx.add.f32.msk $0xffff, v1  }
0x52: {  	v2 =	vld [tilespmem:$0x2830];
	_ =	sdelay $0x7  }
0x53: {  	[tilespmem:v2+s24+$0x0] =	vst.idx.add.f32.msk $0xffff, v1  }
0x54: {  	v2 =	vld [tilespmem:$0x2840];
	_ =	sdelay $0x2  }
0x55: {  	p0 =	sne.s32 s29, $0x4C4  }
.Ltmp1:
0x56: {  	_ = 	snop;
	(pc) =	sbr.rel @p0 .LBB2_4-.Ltmp1, $2  }
0x57: {  	_ =	sdelay $0x2  }
0x58: {  	s29 =	sadd.s32 $0x14, s29;
	s31 =	sadd.s32 $0xA0, s31;
	s30 =	sadd.s32 $0xA0, s30;
	[tilespmem:v2+s24+$0x0] =	vst.idx.add.f32.msk $0xffff, v1  }
0x59: {  	_ =	swait.ge [sflag:s20], $0x2800  }
0x5a: {  	[sflag:s20] =	ssyncset.done $0x0  }
0x5b: {  	[sflag:s20] =	ssyncadd.s32 $0xFFFFD800  }
0x5c: {  	_ =	swait.ge [sflag:s21], $0x50  }
0x5d: {  	[sflag:s21] =	ssyncset.done $0x0  }
0x5e: {  	[sflag:s21] =	ssyncadd.s32 $0xFFFFFFB0  }
0x5f: {  	[spmem:s4] =	stream.indirect.scatter.add.f32 [tilespmem:s18], [sflag:$0x5], $0x80, s19, s17, $0xb8;
	[tilespmem:$0x1E000] =	vst v63  }
0x60: {  	_ =	swait.ge [sflag:s14], $0x2800  }
0x61: {  	[sflag:s14] =	ssyncset.done $0x0  }
0x62: {  	[sflag:s14] =	ssyncadd.s32 $0xFFFFD800  }
0x63: {  	v2 =	vld [tilespmem:$0x2780];
	_ =	sdelay $0x7  }
0x64: {  	[tilespmem:v2+s24+$0x0] =	vst.idx.add.f32.msk $0xffff, v1  }
0x65: {  	v2 =	vld [tilespmem:$0x2790];
	_ =	sdelay $0x7  }
0x66: {  	[tilespmem:v2+s24+$0x0] =	vst.idx.add.f32.msk $0xffff, v1  }
0x67: {  	v2 =	vld [tilespmem:$0x27A0];
	_ =	sdelay $0x7  }
0x68: {  	[tilespmem:v2+s24+$0x0] =	vst.idx.add.f32.msk $0xffff, v1  }
0x69: {  	v2 =	vld [tilespmem:$0x27B0];
	_ =	sdelay $0x7  }
0x6a: {  	[tilespmem:v2+s24+$0x0] =	vst.idx.add.f32.msk $0xffff, v1  }
0x6b: {  	v2 =	vld [tilespmem:$0x27C0];
	_ =	sdelay $0x7  }
0x6c: {  	[tilespmem:v2+s24+$0x0] =	vst.idx.add.f32.msk $0xffff, v1  }
0x6d: {  	[bflag:$0x0] =	sbarrier.arrive $0xFFFF  }
0x6e: {  	[hbm:s9], [sflag:s15] =	dma.local [spmem:s16], $0x2800  }
0x6f: {  	s28 =	sadd.s32 $0x1, s28;
	_ =	swait.ge [sflag:s14], $0x2800  }
0x70: {  	p0 =	sne.s32 s28, s11;
	[sflag:s14] =	ssyncset.done $0x0  }
.Ltmp2:
0x71: {  	[sflag:s14] =	ssyncadd.s32 $0xFFFFD800;
	(pc) =	sbr.rel @p0 .LBB2_1-.Ltmp2, $4  }
0x72: {  	[hbm4b:s10+s5] =	stream.linear.scatter [tilespmem:s24], [sflag:$0x5], $0x2710, $0x38;
	[tilespmem:$0x1E000] =	vst v63  }
0x73: {  	_ =	swait.ge [sflag:s14], $0x2710  }
0x74: {  	[sflag:s14] =	ssyncset.done $0x0  }
0x75: {  	[sflag:s14] =	ssyncadd.s32 $0xFFFFD8F0  }
0x76: {  	_ =	sfence.sel $0x180000  }
0x77: {  	[bflag:$0x0] =	sbarrier.arrive $0xFFFF  }
0x78: {  	_ =	strace $0x90000047  }
0x79: {  	[bflag:$0x2] =	sbarrier.arrive $0xFFFF  }
0x7a: {  	p0 =	sne.s32 s0, $0x0;
	s0 =	rddreg [dreg:$0x4]  }
0x7b: {  	s0 =	sadd.s32 @!p0 $0x100000, s0  }
0x7c: {  	[sflag:s0] =	ssyncadd.tile.s32 @!p0 $0x1;
	_ =	shalt  }
.Lfunc_end2:
_tile_overlayer_lowered:
.L_overlay_start_2:
0x7d: {  	(tag) =	ssettag $0x2  }
0x7e: {  	s0 =	rddreg [dreg:$0x0];
	s2 =	stileid.u32  }
0x7f: {  	s1 =	rddreg [dreg:$0x1];
	p0 =	sne.s32 s2, $0x0  }
0x80: {  	s3 =	rddreg [dreg:$0x2];
	[bflag:$0x3] =	sbarrier.arrive $0xFFFF;
	s2 =	simm.s32 @!p0 $0x1C05  }
0x81: {  	[timem:s3], [sflag:s2] =	dma.local @!p0 [hbm:s0], s1  }
0x82: {  	s0 =	simm.s32 @!p0 $0x5  }
0x83: {  	_ =	swait.ge @!p0 [sflag:s0], s1  }
0x84: {  	s1 =	ssub.s32 @!p0 $0x0, s1;
	[sflag:s0] =	ssyncset.done @!p0 $0x0  }
0x85: {  	[sflag:s0] =	ssyncadd.s32 @!p0 s1  }
0x86: {  	[bflag:$0x3] =	sbarrier.arrive $0xFFFF  }
0x87: {  	_ =	shalt  }

</sc_bundles>
